<compile_context>
chip_gen: v7x
topology: tpu7x:2x2x1
jax: 0.10.2.dev20260603
libtpu: 0.0.44.dev20260713+nightly
codegen_flags: <defaults>
</compile_context>

<pallas_src>
import functools

import jax
import jax.numpy as jnp
from jax import lax
from jax.experimental import pallas as pl
from jax.experimental.pallas import tpu as pltpu
from jax.experimental.pallas import tpu_sc as plsc

_NC = 2
_NS = 16
_NW = _NC * _NS
_R = 16
_SC_ROWS = 12288
_BB = 128


def _sc_body(bpw, combr_hbm, out_hbm, buf, sem):
    wid = lax.axis_index("s") * _NC + lax.axis_index("c")
    pltpu.sync_copy(combr_hbm, buf)
    base = wid * bpw
    copies = [
        pltpu.make_async_copy(buf, out_hbm.at[pl.ds(base + c * _R, _R), :], sem)
        for c in range(bpw // _R)
    ]
    for cp in copies:
        cp.start()
    for cp in copies:
        cp.wait()


def _tc_body(comb_ref, alias_ref, out_ref):
    del alias_ref
    out_ref[...] = jnp.broadcast_to(comb_ref[...], out_ref.shape)


def kernel(x, feature_embeddings, cls_token):
    batch = x.shape[0]
    num_feats, d = feature_embeddings.shape
    seq = num_feats + 1
    row = seq * d
    bpw = _SC_ROWS // _NW

    comb_flat = jnp.concatenate([cls_token[0], feature_embeddings], axis=0).reshape(1, row)
    comb_r = jnp.broadcast_to(comb_flat, (_R, row))

    mesh = plsc.VectorSubcoreMesh(core_axis_name="c", subcore_axis_name="s")
    sc_fill = pl.kernel(
        functools.partial(_sc_body, bpw),
        out_type=jax.ShapeDtypeStruct((batch, row), jnp.float32),
        mesh=mesh,
        scratch_types=[
            pltpu.VMEM((_R, row), jnp.float32),
            pltpu.SemaphoreType.DMA,
        ],
    )
    sc_out = sc_fill(comb_r)

    off_blocks = _SC_ROWS // _BB
    out2d = pl.pallas_call(
        _tc_body,
        grid=((batch - _SC_ROWS) // _BB,),
        in_specs=[
            pl.BlockSpec((1, row), lambda i: (0, 0)),
            pl.BlockSpec(memory_space=pl.ANY),
        ],
        out_specs=pl.BlockSpec((_BB, row), lambda i: (i + off_blocks, 0)),
        out_shape=jax.ShapeDtypeStruct((batch, row), jnp.float32),
        input_output_aliases={1: 0},
    )(comb_flat, sc_out)
    return out2d.reshape(batch, seq, d)

# --- scband reference (transcript-rebuilt; emitter-appended) ---
"""Pipeline reference for scband-feature-tokenizer-78683800863492 (READ-ONLY COPY).

The authoritative reference and input builder live on the scoring server;
editing this copy changes nothing except your own understanding.
"""

import jax, jax.numpy as jnp
import numpy as np

NUM_FEATURES = 100
EMBED_DIM = 64
BATCH = 16384

def setup_inputs(seed: int = 0) -> dict:
    key = jax.random.key(seed)
    k_x, k_emb, k_cls = jax.random.split(key, 3)
    x = jax.random.normal(k_x, (BATCH, NUM_FEATURES), dtype=jnp.float32)
    feature_embeddings = jax.random.normal(k_emb, (NUM_FEATURES, EMBED_DIM), dtype=jnp.float32)
    cls_token = jax.random.normal(k_cls, (1, 1, EMBED_DIM), dtype=jnp.float32)
    return {"x": x, "feature_embeddings": feature_embeddings, "cls_token": cls_token}

def reference(x, feature_embeddings, cls_token):
    batch_size = x.shape[0]
    num_feats = x.shape[1]
    # feature_indices: [B, num_feats] = arange expanded over batch
    feature_indices = jnp.broadcast_to(jnp.arange(num_feats)[None, :], (batch_size, num_feats))
    # embedding lookup (gather rows of the table)
    embeddings = jnp.take(feature_embeddings, feature_indices, axis=0)  # [B, num_feats, D]
    cls_tokens = jnp.broadcast_to(cls_token, (batch_size, 1, cls_token.shape[2]))
    out = jnp.concatenate([cls_tokens, embeddings], axis=1)  # [B, num_feats+1, D]
    return out

if __name__ == "__main__":
    import jax
    _d = setup_inputs()
    print(jax.jit(kernel)(*tuple(_d.values())))

</pallas_src>

<mosaic_0001>
#map = affine_map<(d0, d1) -> (0, 0)>
module attributes {stable_mosaic.version = 14 : i64} {
  func.func @_sc_body(%arg0: i32, %arg1: i32, %arg2: memref<16x6464xf32, #tpu.memory_space<hbm>>, %arg3: memref<16384x6464xf32, #tpu.memory_space<hbm>>, %arg4: memref<16x6464xf32, #tpu.memory_space<vmem>>, %arg5: memref<!tpu.dma_semaphore, #tpu.memory_space<semaphore_mem>>) attributes {dimension_semantics = [#tpu.dimension_semantics<core_parallel>, #tpu.dimension_semantics<subcore_parallel>], iteration_bounds = array<i64: 2, 16>, scalar_prefetch = 0 : i64, scratch_operands = 2 : i64, tpu.core_type = #tpu.core_type<sc_vector_subcore>, window_params = [{transform_indices = #map}, {transform_indices = #map}]} {
    %mul3A = arith.constant 2 : i32
    %mul3A_0 = arith.muli %arg1, %mul3A : i32
    %add3A = arith.addi %mul3A_0, %arg0 : i32
    "tpu.region"() ({
      %run_scoped3A = tpu.sem_alloc : memref<!tpu.dma_semaphore, #tpu.memory_space<semaphore_mem>>
      tpu.enqueue_dma source(%arg2 : memref<16x6464xf32, #tpu.memory_space<hbm>>) target(%arg4 : memref<16x6464xf32, #tpu.memory_space<vmem>>) target_semaphore(%run_scoped3A : memref<!tpu.dma_semaphore, #tpu.memory_space<semaphore_mem>>)
      tpu.wait_dma2 semaphore(%run_scoped3A : memref<!tpu.dma_semaphore, #tpu.memory_space<semaphore_mem>>) src(%arg2 : memref<16x6464xf32, #tpu.memory_space<hbm>>) dst(%arg4 : memref<16x6464xf32, #tpu.memory_space<vmem>>)
      tpu.yield
    }) : () -> ()
    %mul3A_1 = arith.constant 384 : i32
    %mul3A_2 = arith.muli %add3A, %mul3A_1 : i32
    %add3A_3 = arith.constant 0 : i32
    %add3A_4 = arith.addi %mul3A_2, %add3A_3 : i32
    %add3A_5 = arith.constant 16 : i32
    %add3A_6 = arith.addi %mul3A_2, %add3A_5 : i32
    %add3A_7 = arith.constant 32 : i32
    %add3A_8 = arith.addi %mul3A_2, %add3A_7 : i32
    %add3A_9 = arith.constant 48 : i32
    %add3A_10 = arith.addi %mul3A_2, %add3A_9 : i32
    %add3A_11 = arith.constant 64 : i32
    %add3A_12 = arith.addi %mul3A_2, %add3A_11 : i32
    %add3A_13 = arith.constant 80 : i32
    %add3A_14 = arith.addi %mul3A_2, %add3A_13 : i32
    %add3A_15 = arith.constant 96 : i32
    %add3A_16 = arith.addi %mul3A_2, %add3A_15 : i32
    %add3A_17 = arith.constant 112 : i32
    %add3A_18 = arith.addi %mul3A_2, %add3A_17 : i32
    %add3A_19 = arith.constant 128 : i32
    %add3A_20 = arith.addi %mul3A_2, %add3A_19 : i32
    %add3A_21 = arith.constant 144 : i32
    %add3A_22 = arith.addi %mul3A_2, %add3A_21 : i32
    %add3A_23 = arith.constant 160 : i32
    %add3A_24 = arith.addi %mul3A_2, %add3A_23 : i32
    %add3A_25 = arith.constant 176 : i32
    %add3A_26 = arith.addi %mul3A_2, %add3A_25 : i32
    %add3A_27 = arith.constant 192 : i32
    %add3A_28 = arith.addi %mul3A_2, %add3A_27 : i32
    %add3A_29 = arith.constant 208 : i32
    %add3A_30 = arith.addi %mul3A_2, %add3A_29 : i32
    %add3A_31 = arith.constant 224 : i32
    %add3A_32 = arith.addi %mul3A_2, %add3A_31 : i32
    %add3A_33 = arith.constant 240 : i32
    %add3A_34 = arith.addi %mul3A_2, %add3A_33 : i32
    %add3A_35 = arith.constant 256 : i32
    %add3A_36 = arith.addi %mul3A_2, %add3A_35 : i32
    %add3A_37 = arith.constant 272 : i32
    %add3A_38 = arith.addi %mul3A_2, %add3A_37 : i32
    %add3A_39 = arith.constant 288 : i32
    %add3A_40 = arith.addi %mul3A_2, %add3A_39 : i32
    %add3A_41 = arith.constant 304 : i32
    %add3A_42 = arith.addi %mul3A_2, %add3A_41 : i32
    %add3A_43 = arith.constant 320 : i32
    %add3A_44 = arith.addi %mul3A_2, %add3A_43 : i32
    %add3A_45 = arith.constant 336 : i32
    %add3A_46 = arith.addi %mul3A_2, %add3A_45 : i32
    %add3A_47 = arith.constant 352 : i32
    %add3A_48 = arith.addi %mul3A_2, %add3A_47 : i32
    %add3A_49 = arith.constant 368 : i32
    %add3A_50 = arith.addi %mul3A_2, %add3A_49 : i32
    %dma_start3A = arith.constant 0 : i32
    %dma_start3A_51 = tpu.memref_slice %arg3[%add3A_4, %dma_start3A] : memref<16384x6464xf32, #tpu.memory_space<hbm>> -> memref<16x6464xf32, #tpu.memory_space<hbm>>
    %dma_start3A_52 = arith.constant 0 : i32
    %dma_start3A_53 = tpu.memref_slice %arg3[%add3A_4, %dma_start3A_52] : memref<16384x6464xf32, #tpu.memory_space<hbm>> -> memref<16x6464xf32, #tpu.memory_space<hbm>>
    tpu.enqueue_dma source(%arg4 : memref<16x6464xf32, #tpu.memory_space<vmem>>) target(%dma_start3A_53 : memref<16x6464xf32, #tpu.memory_space<hbm>>) target_semaphore(%arg5 : memref<!tpu.dma_semaphore, #tpu.memory_space<semaphore_mem>>)
    %dma_start3A_54 = arith.constant 0 : i32
    %dma_start3A_55 = tpu.memref_slice %arg3[%add3A_6, %dma_start3A_54] : memref<16384x6464xf32, #tpu.memory_space<hbm>> -> memref<16x6464xf32, #tpu.memory_space<hbm>>
    %dma_start3A_56 = arith.constant 0 : i32
    %dma_start3A_57 = tpu.memref_slice %arg3[%add3A_6, %dma_start3A_56] : memref<16384x6464xf32, #tpu.memory_space<hbm>> -> memref<16x6464xf32, #tpu.memory_space<hbm>>
    tpu.enqueue_dma source(%arg4 : memref<16x6464xf32, #tpu.memory_space<vmem>>) target(%dma_start3A_57 : memref<16x6464xf32, #tpu.memory_space<hbm>>) target_semaphore(%arg5 : memref<!tpu.dma_semaphore, #tpu.memory_space<semaphore_mem>>)
    %dma_start3A_58 = arith.constant 0 : i32
    %dma_start3A_59 = tpu.memref_slice %arg3[%add3A_8, %dma_start3A_58] : memref<16384x6464xf32, #tpu.memory_space<hbm>> -> memref<16x6464xf32, #tpu.memory_space<hbm>>
    %dma_start3A_60 = arith.constant 0 : i32
    %dma_start3A_61 = tpu.memref_slice %arg3[%add3A_8, %dma_start3A_60] : memref<16384x6464xf32, #tpu.memory_space<hbm>> -> memref<16x6464xf32, #tpu.memory_space<hbm>>
    tpu.enqueue_dma source(%arg4 : memref<16x6464xf32, #tpu.memory_space<vmem>>) target(%dma_start3A_61 : memref<16x6464xf32, #tpu.memory_space<hbm>>) target_semaphore(%arg5 : memref<!tpu.dma_semaphore, #tpu.memory_space<semaphore_mem>>)
    %dma_start3A_62 = arith.constant 0 : i32
    %dma_start3A_63 = tpu.memref_slice %arg3[%add3A_10, %dma_start3A_62] : memref<16384x6464xf32, #tpu.memory_space<hbm>> -> memref<16x6464xf32, #tpu.memory_space<hbm>>
    %dma_start3A_64 = arith.constant 0 : i32
    %dma_start3A_65 = tpu.memref_slice %arg3[%add3A_10, %dma_start3A_64] : memref<16384x6464xf32, #tpu.memory_space<hbm>> -> memref<16x6464xf32, #tpu.memory_space<hbm>>
    tpu.enqueue_dma source(%arg4 : memref<16x6464xf32, #tpu.memory_space<vmem>>) target(%dma_start3A_65 : memref<16x6464xf32, #tpu.memory_space<hbm>>) target_semaphore(%arg5 : memref<!tpu.dma_semaphore, #tpu.memory_space<semaphore_mem>>)
    %dma_start3A_66 = arith.constant 0 : i32
    %dma_start3A_67 = tpu.memref_slice %arg3[%add3A_12, %dma_start3A_66] : memref<16384x6464xf32, #tpu.memory_space<hbm>> -> memref<16x6464xf32, #tpu.memory_space<hbm>>
    %dma_start3A_68 = arith.constant 0 : i32
    %dma_start3A_69 = tpu.memref_slice %arg3[%add3A_12, %dma_start3A_68] : memref<16384x6464xf32, #tpu.memory_space<hbm>> -> memref<16x6464xf32, #tpu.memory_space<hbm>>
    tpu.enqueue_dma source(%arg4 : memref<16x6464xf32, #tpu.memory_space<vmem>>) target(%dma_start3A_69 : memref<16x6464xf32, #tpu.memory_space<hbm>>) target_semaphore(%arg5 : memref<!tpu.dma_semaphore, #tpu.memory_space<semaphore_mem>>)
    %dma_start3A_70 = arith.constant 0 : i32
    %dma_start3A_71 = tpu.memref_slice %arg3[%add3A_14, %dma_start3A_70] : memref<16384x6464xf32, #tpu.memory_space<hbm>> -> memref<16x6464xf32, #tpu.memory_space<hbm>>
    %dma_start3A_72 = arith.constant 0 : i32
    %dma_start3A_73 = tpu.memref_slice %arg3[%add3A_14, %dma_start3A_72] : memref<16384x6464xf32, #tpu.memory_space<hbm>> -> memref<16x6464xf32, #tpu.memory_space<hbm>>
    tpu.enqueue_dma source(%arg4 : memref<16x6464xf32, #tpu.memory_space<vmem>>) target(%dma_start3A_73 : memref<16x6464xf32, #tpu.memory_space<hbm>>) target_semaphore(%arg5 : memref<!tpu.dma_semaphore, #tpu.memory_space<semaphore_mem>>)
    %dma_start3A_74 = arith.constant 0 : i32
    %dma_start3A_75 = tpu.memref_slice %arg3[%add3A_16, %dma_start3A_74] : memref<16384x6464xf32, #tpu.memory_space<hbm>> -> memref<16x6464xf32, #tpu.memory_space<hbm>>
    %dma_start3A_76 = arith.constant 0 : i32
    %dma_start3A_77 = tpu.memref_slice %arg3[%add3A_16, %dma_start3A_76] : memref<16384x6464xf32, #tpu.memory_space<hbm>> -> memref<16x6464xf32, #tpu.memory_space<hbm>>
    tpu.enqueue_dma source(%arg4 : memref<16x6464xf32, #tpu.memory_space<vmem>>) target(%dma_start3A_77 : memref<16x6464xf32, #tpu.memory_space<hbm>>) target_semaphore(%arg5 : memref<!tpu.dma_semaphore, #tpu.memory_space<semaphore_mem>>)
    %dma_start3A_78 = arith.constant 0 : i32
    %dma_start3A_79 = tpu.memref_slice %arg3[%add3A_18, %dma_start3A_78] : memref<16384x6464xf32, #tpu.memory_space<hbm>> -> memref<16x6464xf32, #tpu.memory_space<hbm>>
    %dma_start3A_80 = arith.constant 0 : i32
    %dma_start3A_81 = tpu.memref_slice %arg3[%add3A_18, %dma_start3A_80] : memref<16384x6464xf32, #tpu.memory_space<hbm>> -> memref<16x6464xf32, #tpu.memory_space<hbm>>
    tpu.enqueue_dma source(%arg4 : memref<16x6464xf32, #tpu.memory_space<vmem>>) target(%dma_start3A_81 : memref<16x6464xf32, #tpu.memory_space<hbm>>) target_semaphore(%arg5 : memref<!tpu.dma_semaphore, #tpu.memory_space<semaphore_mem>>)
    %dma_start3A_82 = arith.constant 0 : i32
    %dma_start3A_83 = tpu.memref_slice %arg3[%add3A_20, %dma_start3A_82] : memref<16384x6464xf32, #tpu.memory_space<hbm>> -> memref<16x6464xf32, #tpu.memory_space<hbm>>
    %dma_start3A_84 = arith.constant 0 : i32
    %dma_start3A_85 = tpu.memref_slice %arg3[%add3A_20, %dma_start3A_84] : memref<16384x6464xf32, #tpu.memory_space<hbm>> -> memref<16x6464xf32, #tpu.memory_space<hbm>>
    tpu.enqueue_dma source(%arg4 : memref<16x6464xf32, #tpu.memory_space<vmem>>) target(%dma_start3A_85 : memref<16x6464xf32, #tpu.memory_space<hbm>>) target_semaphore(%arg5 : memref<!tpu.dma_semaphore, #tpu.memory_space<semaphore_mem>>)
    %dma_start3A_86 = arith.constant 0 : i32
    %dma_start3A_87 = tpu.memref_slice %arg3[%add3A_22, %dma_start3A_86] : memref<16384x6464xf32, #tpu.memory_space<hbm>> -> memref<16x6464xf32, #tpu.memory_space<hbm>>
    %dma_start3A_88 = arith.constant 0 : i32
    %dma_start3A_89 = tpu.memref_slice %arg3[%add3A_22, %dma_start3A_88] : memref<16384x6464xf32, #tpu.memory_space<hbm>> -> memref<16x6464xf32, #tpu.memory_space<hbm>>
    tpu.enqueue_dma source(%arg4 : memref<16x6464xf32, #tpu.memory_space<vmem>>) target(%dma_start3A_89 : memref<16x6464xf32, #tpu.memory_space<hbm>>) target_semaphore(%arg5 : memref<!tpu.dma_semaphore, #tpu.memory_space<semaphore_mem>>)
    %dma_start3A_90 = arith.constant 0 : i32
    %dma_start3A_91 = tpu.memref_slice %arg3[%add3A_24, %dma_start3A_90] : memref<16384x6464xf32, #tpu.memory_space<hbm>> -> memref<16x6464xf32, #tpu.memory_space<hbm>>
    %dma_start3A_92 = arith.constant 0 : i32
    %dma_start3A_93 = tpu.memref_slice %arg3[%add3A_24, %dma_start3A_92] : memref<16384x6464xf32, #tpu.memory_space<hbm>> -> memref<16x6464xf32, #tpu.memory_space<hbm>>
    tpu.enqueue_dma source(%arg4 : memref<16x6464xf32, #tpu.memory_space<vmem>>) target(%dma_start3A_93 : memref<16x6464xf32, #tpu.memory_space<hbm>>) target_semaphore(%arg5 : memref<!tpu.dma_semaphore, #tpu.memory_space<semaphore_mem>>)
    %dma_start3A_94 = arith.constant 0 : i32
    %dma_start3A_95 = tpu.memref_slice %arg3[%add3A_26, %dma_start3A_94] : memref<16384x6464xf32, #tpu.memory_space<hbm>> -> memref<16x6464xf32, #tpu.memory_space<hbm>>
    %dma_start3A_96 = arith.constant 0 : i32
    %dma_start3A_97 = tpu.memref_slice %arg3[%add3A_26, %dma_start3A_96] : memref<16384x6464xf32, #tpu.memory_space<hbm>> -> memref<16x6464xf32, #tpu.memory_space<hbm>>
    tpu.enqueue_dma source(%arg4 : memref<16x6464xf32, #tpu.memory_space<vmem>>) target(%dma_start3A_97 : memref<16x6464xf32, #tpu.memory_space<hbm>>) target_semaphore(%arg5 : memref<!tpu.dma_semaphore, #tpu.memory_space<semaphore_mem>>)
    %dma_start3A_98 = arith.constant 0 : i32
    %dma_start3A_99 = tpu.memref_slice %arg3[%add3A_28, %dma_start3A_98] : memref<16384x6464xf32, #tpu.memory_space<hbm>> -> memref<16x6464xf32, #tpu.memory_space<hbm>>
    %dma_start3A_100 = arith.constant 0 : i32
    %dma_start3A_101 = tpu.memref_slice %arg3[%add3A_28, %dma_start3A_100] : memref<16384x6464xf32, #tpu.memory_space<hbm>> -> memref<16x6464xf32, #tpu.memory_space<hbm>>
    tpu.enqueue_dma source(%arg4 : memref<16x6464xf32, #tpu.memory_space<vmem>>) target(%dma_start3A_101 : memref<16x6464xf32, #tpu.memory_space<hbm>>) target_semaphore(%arg5 : memref<!tpu.dma_semaphore, #tpu.memory_space<semaphore_mem>>)
    %dma_start3A_102 = arith.constant 0 : i32
    %dma_start3A_103 = tpu.memref_slice %arg3[%add3A_30, %dma_start3A_102] : memref<16384x6464xf32, #tpu.memory_space<hbm>> -> memref<16x6464xf32, #tpu.memory_space<hbm>>
    %dma_start3A_104 = arith.constant 0 : i32
    %dma_start3A_105 = tpu.memref_slice %arg3[%add3A_30, %dma_start3A_104] : memref<16384x6464xf32, #tpu.memory_space<hbm>> -> memref<16x6464xf32, #tpu.memory_space<hbm>>
    tpu.enqueue_dma source(%arg4 : memref<16x6464xf32, #tpu.memory_space<vmem>>) target(%dma_start3A_105 : memref<16x6464xf32, #tpu.memory_space<hbm>>) target_semaphore(%arg5 : memref<!tpu.dma_semaphore, #tpu.memory_space<semaphore_mem>>)
    %dma_start3A_106 = arith.constant 0 : i32
    %dma_start3A_107 = tpu.memref_slice %arg3[%add3A_32, %dma_start3A_106] : memref<16384x6464xf32, #tpu.memory_space<hbm>> -> memref<16x6464xf32, #tpu.memory_space<hbm>>
    %dma_start3A_108 = arith.constant 0 : i32
    %dma_start3A_109 = tpu.memref_slice %arg3[%add3A_32, %dma_start3A_108] : memref<16384x6464xf32, #tpu.memory_space<hbm>> -> memref<16x6464xf32, #tpu.memory_space<hbm>>
    tpu.enqueue_dma source(%arg4 : memref<16x6464xf32, #tpu.memory_space<vmem>>) target(%dma_start3A_109 : memref<16x6464xf32, #tpu.memory_space<hbm>>) target_semaphore(%arg5 : memref<!tpu.dma_semaphore, #tpu.memory_space<semaphore_mem>>)
    %dma_start3A_110 = arith.constant 0 : i32
    %dma_start3A_111 = tpu.memref_slice %arg3[%add3A_34, %dma_start3A_110] : memref<16384x6464xf32, #tpu.memory_space<hbm>> -> memref<16x6464xf32, #tpu.memory_space<hbm>>
    %dma_start3A_112 = arith.constant 0 : i32
    %dma_start3A_113 = tpu.memref_slice %arg3[%add3A_34, %dma_start3A_112] : memref<16384x6464xf32, #tpu.memory_space<hbm>> -> memref<16x6464xf32, #tpu.memory_space<hbm>>
    tpu.enqueue_dma source(%arg4 : memref<16x6464xf32, #tpu.memory_space<vmem>>) target(%dma_start3A_113 : memref<16x6464xf32, #tpu.memory_space<hbm>>) target_semaphore(%arg5 : memref<!tpu.dma_semaphore, #tpu.memory_space<semaphore_mem>>)
    %dma_start3A_114 = arith.constant 0 : i32
    %dma_start3A_115 = tpu.memref_slice %arg3[%add3A_36, %dma_start3A_114] : memref<16384x6464xf32, #tpu.memory_space<hbm>> -> memref<16x6464xf32, #tpu.memory_space<hbm>>
    %dma_start3A_116 = arith.constant 0 : i32
    %dma_start3A_117 = tpu.memref_slice %arg3[%add3A_36, %dma_start3A_116] : memref<16384x6464xf32, #tpu.memory_space<hbm>> -> memref<16x6464xf32, #tpu.memory_space<hbm>>
    tpu.enqueue_dma source(%arg4 : memref<16x6464xf32, #tpu.memory_space<vmem>>) target(%dma_start3A_117 : memref<16x6464xf32, #tpu.memory_space<hbm>>) target_semaphore(%arg5 : memref<!tpu.dma_semaphore, #tpu.memory_space<semaphore_mem>>)
    %dma_start3A_118 = arith.constant 0 : i32
    %dma_start3A_119 = tpu.memref_slice %arg3[%add3A_38, %dma_start3A_118] : memref<16384x6464xf32, #tpu.memory_space<hbm>> -> memref<16x6464xf32, #tpu.memory_space<hbm>>
    %dma_start3A_120 = arith.constant 0 : i32
    %dma_start3A_121 = tpu.memref_slice %arg3[%add3A_38, %dma_start3A_120] : memref<16384x6464xf32, #tpu.memory_space<hbm>> -> memref<16x6464xf32, #tpu.memory_space<hbm>>
    tpu.enqueue_dma source(%arg4 : memref<16x6464xf32, #tpu.memory_space<vmem>>) target(%dma_start3A_121 : memref<16x6464xf32, #tpu.memory_space<hbm>>) target_semaphore(%arg5 : memref<!tpu.dma_semaphore, #tpu.memory_space<semaphore_mem>>)
    %dma_start3A_122 = arith.constant 0 : i32
    %dma_start3A_123 = tpu.memref_slice %arg3[%add3A_40, %dma_start3A_122] : memref<16384x6464xf32, #tpu.memory_space<hbm>> -> memref<16x6464xf32, #tpu.memory_space<hbm>>
    %dma_start3A_124 = arith.constant 0 : i32
    %dma_start3A_125 = tpu.memref_slice %arg3[%add3A_40, %dma_start3A_124] : memref<16384x6464xf32, #tpu.memory_space<hbm>> -> memref<16x6464xf32, #tpu.memory_space<hbm>>
    tpu.enqueue_dma source(%arg4 : memref<16x6464xf32, #tpu.memory_space<vmem>>) target(%dma_start3A_125 : memref<16x6464xf32, #tpu.memory_space<hbm>>) target_semaphore(%arg5 : memref<!tpu.dma_semaphore, #tpu.memory_space<semaphore_mem>>)
    %dma_start3A_126 = arith.constant 0 : i32
    %dma_start3A_127 = tpu.memref_slice %arg3[%add3A_42, %dma_start3A_126] : memref<16384x6464xf32, #tpu.memory_space<hbm>> -> memref<16x6464xf32, #tpu.memory_space<hbm>>
    %dma_start3A_128 = arith.constant 0 : i32
    %dma_start3A_129 = tpu.memref_slice %arg3[%add3A_42, %dma_start3A_128] : memref<16384x6464xf32, #tpu.memory_space<hbm>> -> memref<16x6464xf32, #tpu.memory_space<hbm>>
    tpu.enqueue_dma source(%arg4 : memref<16x6464xf32, #tpu.memory_space<vmem>>) target(%dma_start3A_129 : memref<16x6464xf32, #tpu.memory_space<hbm>>) target_semaphore(%arg5 : memref<!tpu.dma_semaphore, #tpu.memory_space<semaphore_mem>>)
    %dma_start3A_130 = arith.constant 0 : i32
    %dma_start3A_131 = tpu.memref_slice %arg3[%add3A_44, %dma_start3A_130] : memref<16384x6464xf32, #tpu.memory_space<hbm>> -> memref<16x6464xf32, #tpu.memory_space<hbm>>
    %dma_start3A_132 = arith.constant 0 : i32
    %dma_start3A_133 = tpu.memref_slice %arg3[%add3A_44, %dma_start3A_132] : memref<16384x6464xf32, #tpu.memory_space<hbm>> -> memref<16x6464xf32, #tpu.memory_space<hbm>>
    tpu.enqueue_dma source(%arg4 : memref<16x6464xf32, #tpu.memory_space<vmem>>) target(%dma_start3A_133 : memref<16x6464xf32, #tpu.memory_space<hbm>>) target_semaphore(%arg5 : memref<!tpu.dma_semaphore, #tpu.memory_space<semaphore_mem>>)
    %dma_start3A_134 = arith.constant 0 : i32
    %dma_start3A_135 = tpu.memref_slice %arg3[%add3A_46, %dma_start3A_134] : memref<16384x6464xf32, #tpu.memory_space<hbm>> -> memref<16x6464xf32, #tpu.memory_space<hbm>>
    %dma_start3A_136 = arith.constant 0 : i32
    %dma_start3A_137 = tpu.memref_slice %arg3[%add3A_46, %dma_start3A_136] : memref<16384x6464xf32, #tpu.memory_space<hbm>> -> memref<16x6464xf32, #tpu.memory_space<hbm>>
    tpu.enqueue_dma source(%arg4 : memref<16x6464xf32, #tpu.memory_space<vmem>>) target(%dma_start3A_137 : memref<16x6464xf32, #tpu.memory_space<hbm>>) target_semaphore(%arg5 : memref<!tpu.dma_semaphore, #tpu.memory_space<semaphore_mem>>)
    %dma_start3A_138 = arith.constant 0 : i32
    %dma_start3A_139 = tpu.memref_slice %arg3[%add3A_48, %dma_start3A_138] : memref<16384x6464xf32, #tpu.memory_space<hbm>> -> memref<16x6464xf32, #tpu.memory_space<hbm>>
    %dma_start3A_140 = arith.constant 0 : i32
    %dma_start3A_141 = tpu.memref_slice %arg3[%add3A_48, %dma_start3A_140] : memref<16384x6464xf32, #tpu.memory_space<hbm>> -> memref<16x6464xf32, #tpu.memory_space<hbm>>
    tpu.enqueue_dma source(%arg4 : memref<16x6464xf32, #tpu.memory_space<vmem>>) target(%dma_start3A_141 : memref<16x6464xf32, #tpu.memory_space<hbm>>) target_semaphore(%arg5 : memref<!tpu.dma_semaphore, #tpu.memory_space<semaphore_mem>>)
    %dma_start3A_142 = arith.constant 0 : i32
    %dma_start3A_143 = tpu.memref_slice %arg3[%add3A_50, %dma_start3A_142] : memref<16384x6464xf32, #tpu.memory_space<hbm>> -> memref<16x6464xf32, #tpu.memory_space<hbm>>
    %dma_start3A_144 = arith.constant 0 : i32
    %dma_start3A_145 = tpu.memref_slice %arg3[%add3A_50, %dma_start3A_144] : memref<16384x6464xf32, #tpu.memory_space<hbm>> -> memref<16x6464xf32, #tpu.memory_space<hbm>>
    tpu.enqueue_dma source(%arg4 : memref<16x6464xf32, #tpu.memory_space<vmem>>) target(%dma_start3A_145 : memref<16x6464xf32, #tpu.memory_space<hbm>>) target_semaphore(%arg5 : memref<!tpu.dma_semaphore, #tpu.memory_space<semaphore_mem>>)
    %dma_wait3A = arith.constant 0 : i32
    %dma_wait3A_146 = tpu.memref_slice %arg3[%add3A_4, %dma_wait3A] : memref<16384x6464xf32, #tpu.memory_space<hbm>> -> memref<16x6464xf32, #tpu.memory_space<hbm>>
    %dma_wait3A_147 = arith.constant 0 : i32
    %dma_wait3A_148 = tpu.memref_slice %arg3[%add3A_4, %dma_wait3A_147] : memref<16384x6464xf32, #tpu.memory_space<hbm>> -> memref<16x6464xf32, #tpu.memory_space<hbm>>
    tpu.wait_dma2 semaphore(%arg5 : memref<!tpu.dma_semaphore, #tpu.memory_space<semaphore_mem>>) src(%arg4 : memref<16x6464xf32, #tpu.memory_space<vmem>>) dst(%dma_wait3A_148 : memref<16x6464xf32, #tpu.memory_space<hbm>>)
    %dma_wait3A_149 = arith.constant 0 : i32
    %dma_wait3A_150 = tpu.memref_slice %arg3[%add3A_6, %dma_wait3A_149] : memref<16384x6464xf32, #tpu.memory_space<hbm>> -> memref<16x6464xf32, #tpu.memory_space<hbm>>
    %dma_wait3A_151 = arith.constant 0 : i32
    %dma_wait3A_152 = tpu.memref_slice %arg3[%add3A_6, %dma_wait3A_151] : memref<16384x6464xf32, #tpu.memory_space<hbm>> -> memref<16x6464xf32, #tpu.memory_space<hbm>>
    tpu.wait_dma2 semaphore(%arg5 : memref<!tpu.dma_semaphore, #tpu.memory_space<semaphore_mem>>) src(%arg4 : memref<16x6464xf32, #tpu.memory_space<vmem>>) dst(%dma_wait3A_152 : memref<16x6464xf32, #tpu.memory_space<hbm>>)
    %dma_wait3A_153 = arith.constant 0 : i32
    %dma_wait3A_154 = tpu.memref_slice %arg3[%add3A_8, %dma_wait3A_153] : memref<16384x6464xf32, #tpu.memory_space<hbm>> -> memref<16x6464xf32, #tpu.memory_space<hbm>>
    %dma_wait3A_155 = arith.constant 0 : i32
    %dma_wait3A_156 = tpu.memref_slice %arg3[%add3A_8, %dma_wait3A_155] : memref<16384x6464xf32, #tpu.memory_space<hbm>> -> memref<16x6464xf32, #tpu.memory_space<hbm>>
    tpu.wait_dma2 semaphore(%arg5 : memref<!tpu.dma_semaphore, #tpu.memory_space<semaphore_mem>>) src(%arg4 : memref<16x6464xf32, #tpu.memory_space<vmem>>) dst(%dma_wait3A_156 : memref<16x6464xf32, #tpu.memory_space<hbm>>)
    %dma_wait3A_157 = arith.constant 0 : i32
    %dma_wait3A_158 = tpu.memref_slice %arg3[%add3A_10, %dma_wait3A_157] : memref<16384x6464xf32, #tpu.memory_space<hbm>> -> memref<16x6464xf32, #tpu.memory_space<hbm>>
    %dma_wait3A_159 = arith.constant 0 : i32
    %dma_wait3A_160 = tpu.memref_slice %arg3[%add3A_10, %dma_wait3A_159] : memref<16384x6464xf32, #tpu.memory_space<hbm>> -> memref<16x6464xf32, #tpu.memory_space<hbm>>
    tpu.wait_dma2 semaphore(%arg5 : memref<!tpu.dma_semaphore, #tpu.memory_space<semaphore_mem>>) src(%arg4 : memref<16x6464xf32, #tpu.memory_space<vmem>>) dst(%dma_wait3A_160 : memref<16x6464xf32, #tpu.memory_space<hbm>>)
    %dma_wait3A_161 = arith.constant 0 : i32
    %dma_wait3A_162 = tpu.memref_slice %arg3[%add3A_12, %dma_wait3A_161] : memref<16384x6464xf32, #tpu.memory_space<hbm>> -> memref<16x6464xf32, #tpu.memory_space<hbm>>
    %dma_wait3A_163 = arith.constant 0 : i32
    %dma_wait3A_164 = tpu.memref_slice %arg3[%add3A_12, %dma_wait3A_163] : memref<16384x6464xf32, #tpu.memory_space<hbm>> -> memref<16x6464xf32, #tpu.memory_space<hbm>>
    tpu.wait_dma2 semaphore(%arg5 : memref<!tpu.dma_semaphore, #tpu.memory_space<semaphore_mem>>) src(%arg4 : memref<16x6464xf32, #tpu.memory_space<vmem>>) dst(%dma_wait3A_164 : memref<16x6464xf32, #tpu.memory_space<hbm>>)
    %dma_wait3A_165 = arith.constant 0 : i32
    %dma_wait3A_166 = tpu.memref_slice %arg3[%add3A_14, %dma_wait3A_165] : memref<16384x6464xf32, #tpu.memory_space<hbm>> -> memref<16x6464xf32, #tpu.memory_space<hbm>>
    %dma_wait3A_167 = arith.constant 0 : i32
    %dma_wait3A_168 = tpu.memref_slice %arg3[%add3A_14, %dma_wait3A_167] : memref<16384x6464xf32, #tpu.memory_space<hbm>> -> memref<16x6464xf32, #tpu.memory_space<hbm>>
    tpu.wait_dma2 semaphore(%arg5 : memref<!tpu.dma_semaphore, #tpu.memory_space<semaphore_mem>>) src(%arg4 : memref<16x6464xf32, #tpu.memory_space<vmem>>) dst(%dma_wait3A_168 : memref<16x6464xf32, #tpu.memory_space<hbm>>)
    %dma_wait3A_169 = arith.constant 0 : i32
    %dma_wait3A_170 = tpu.memref_slice %arg3[%add3A_16, %dma_wait3A_169] : memref<16384x6464xf32, #tpu.memory_space<hbm>> -> memref<16x6464xf32, #tpu.memory_space<hbm>>
    %dma_wait3A_171 = arith.constant 0 : i32
    %dma_wait3A_172 = tpu.memref_slice %arg3[%add3A_16, %dma_wait3A_171] : memref<16384x6464xf32, #tpu.memory_space<hbm>> -> memref<16x6464xf32, #tpu.memory_space<hbm>>
    tpu.wait_dma2 semaphore(%arg5 : memref<!tpu.dma_semaphore, #tpu.memory_space<semaphore_mem>>) src(%arg4 : memref<16x6464xf32, #tpu.memory_space<vmem>>) dst(%dma_wait3A_172 : memref<16x6464xf32, #tpu.memory_space<hbm>>)
    %dma_wait3A_173 = arith.constant 0 : i32
    %dma_wait3A_174 = tpu.memref_slice %arg3[%add3A_18, %dma_wait3A_173] : memref<16384x6464xf32, #tpu.memory_space<hbm>> -> memref<16x6464xf32, #tpu.memory_space<hbm>>
    %dma_wait3A_175 = arith.constant 0 : i32
    %dma_wait3A_176 = tpu.memref_slice %arg3[%add3A_18, %dma_wait3A_175] : memref<16384x6464xf32, #tpu.memory_space<hbm>> -> memref<16x6464xf32, #tpu.memory_space<hbm>>
    tpu.wait_dma2 semaphore(%arg5 : memref<!tpu.dma_semaphore, #tpu.memory_space<semaphore_mem>>) src(%arg4 : memref<16x6464xf32, #tpu.memory_space<vmem>>) dst(%dma_wait3A_176 : memref<16x6464xf32, #tpu.memory_space<hbm>>)
    %dma_wait3A_177 = arith.constant 0 : i32
    %dma_wait3A_178 = tpu.memref_slice %arg3[%add3A_20, %dma_wait3A_177] : memref<16384x6464xf32, #tpu.memory_space<hbm>> -> memref<16x6464xf32, #tpu.memory_space<hbm>>
    %dma_wait3A_179 = arith.constant 0 : i32
    %dma_wait3A_180 = tpu.memref_slice %arg3[%add3A_20, %dma_wait3A_179] : memref<16384x6464xf32, #tpu.memory_space<hbm>> -> memref<16x6464xf32, #tpu.memory_space<hbm>>
    tpu.wait_dma2 semaphore(%arg5 : memref<!tpu.dma_semaphore, #tpu.memory_space<semaphore_mem>>) src(%arg4 : memref<16x6464xf32, #tpu.memory_space<vmem>>) dst(%dma_wait3A_180 : memref<16x6464xf32, #tpu.memory_space<hbm>>)
    %dma_wait3A_181 = arith.constant 0 : i32
    %dma_wait3A_182 = tpu.memref_slice %arg3[%add3A_22, %dma_wait3A_181] : memref<16384x6464xf32, #tpu.memory_space<hbm>> -> memref<16x6464xf32, #tpu.memory_space<hbm>>
    %dma_wait3A_183 = arith.constant 0 : i32
    %dma_wait3A_184 = tpu.memref_slice %arg3[%add3A_22, %dma_wait3A_183] : memref<16384x6464xf32, #tpu.memory_space<hbm>> -> memref<16x6464xf32, #tpu.memory_space<hbm>>
    tpu.wait_dma2 semaphore(%arg5 : memref<!tpu.dma_semaphore, #tpu.memory_space<semaphore_mem>>) src(%arg4 : memref<16x6464xf32, #tpu.memory_space<vmem>>) dst(%dma_wait3A_184 : memref<16x6464xf32, #tpu.memory_space<hbm>>)
    %dma_wait3A_185 = arith.constant 0 : i32
    %dma_wait3A_186 = tpu.memref_slice %arg3[%add3A_24, %dma_wait3A_185] : memref<16384x6464xf32, #tpu.memory_space<hbm>> -> memref<16x6464xf32, #tpu.memory_space<hbm>>
    %dma_wait3A_187 = arith.constant 0 : i32
    %dma_wait3A_188 = tpu.memref_slice %arg3[%add3A_24, %dma_wait3A_187] : memref<16384x6464xf32, #tpu.memory_space<hbm>> -> memref<16x6464xf32, #tpu.memory_space<hbm>>
    tpu.wait_dma2 semaphore(%arg5 : memref<!tpu.dma_semaphore, #tpu.memory_space<semaphore_mem>>) src(%arg4 : memref<16x6464xf32, #tpu.memory_space<vmem>>) dst(%dma_wait3A_188 : memref<16x6464xf32, #tpu.memory_space<hbm>>)
    %dma_wait3A_189 = arith.constant 0 : i32
    %dma_wait3A_190 = tpu.memref_slice %arg3[%add3A_26, %dma_wait3A_189] : memref<16384x6464xf32, #tpu.memory_space<hbm>> -> memref<16x6464xf32, #tpu.memory_space<hbm>>
    %dma_wait3A_191 = arith.constant 0 : i32
    %dma_wait3A_192 = tpu.memref_slice %arg3[%add3A_26, %dma_wait3A_191] : memref<16384x6464xf32, #tpu.memory_space<hbm>> -> memref<16x6464xf32, #tpu.memory_space<hbm>>
    tpu.wait_dma2 semaphore(%arg5 : memref<!tpu.dma_semaphore, #tpu.memory_space<semaphore_mem>>) src(%arg4 : memref<16x6464xf32, #tpu.memory_space<vmem>>) dst(%dma_wait3A_192 : memref<16x6464xf32, #tpu.memory_space<hbm>>)
    %dma_wait3A_193 = arith.constant 0 : i32
    %dma_wait3A_194 = tpu.memref_slice %arg3[%add3A_28, %dma_wait3A_193] : memref<16384x6464xf32, #tpu.memory_space<hbm>> -> memref<16x6464xf32, #tpu.memory_space<hbm>>
    %dma_wait3A_195 = arith.constant 0 : i32
    %dma_wait3A_196 = tpu.memref_slice %arg3[%add3A_28, %dma_wait3A_195] : memref<16384x6464xf32, #tpu.memory_space<hbm>> -> memref<16x6464xf32, #tpu.memory_space<hbm>>
    tpu.wait_dma2 semaphore(%arg5 : memref<!tpu.dma_semaphore, #tpu.memory_space<semaphore_mem>>) src(%arg4 : memref<16x6464xf32, #tpu.memory_space<vmem>>) dst(%dma_wait3A_196 : memref<16x6464xf32, #tpu.memory_space<hbm>>)
    %dma_wait3A_197 = arith.constant 0 : i32
    %dma_wait3A_198 = tpu.memref_slice %arg3[%add3A_30, %dma_wait3A_197] : memref<16384x6464xf32, #tpu.memory_space<hbm>> -> memref<16x6464xf32, #tpu.memory_space<hbm>>
    %dma_wait3A_199 = arith.constant 0 : i32
    %dma_wait3A_200 = tpu.memref_slice %arg3[%add3A_30, %dma_wait3A_199] : memref<16384x6464xf32, #tpu.memory_space<hbm>> -> memref<16x6464xf32, #tpu.memory_space<hbm>>
    tpu.wait_dma2 semaphore(%arg5 : memref<!tpu.dma_semaphore, #tpu.memory_space<semaphore_mem>>) src(%arg4 : memref<16x6464xf32, #tpu.memory_space<vmem>>) dst(%dma_wait3A_200 : memref<16x6464xf32, #tpu.memory_space<hbm>>)
    %dma_wait3A_201 = arith.constant 0 : i32
    %dma_wait3A_202 = tpu.memref_slice %arg3[%add3A_32, %dma_wait3A_201] : memref<16384x6464xf32, #tpu.memory_space<hbm>> -> memref<16x6464xf32, #tpu.memory_space<hbm>>
    %dma_wait3A_203 = arith.constant 0 : i32
    %dma_wait3A_204 = tpu.memref_slice %arg3[%add3A_32, %dma_wait3A_203] : memref<16384x6464xf32, #tpu.memory_space<hbm>> -> memref<16x6464xf32, #tpu.memory_space<hbm>>
    tpu.wait_dma2 semaphore(%arg5 : memref<!tpu.dma_semaphore, #tpu.memory_space<semaphore_mem>>) src(%arg4 : memref<16x6464xf32, #tpu.memory_space<vmem>>) dst(%dma_wait3A_204 : memref<16x6464xf32, #tpu.memory_space<hbm>>)
    %dma_wait3A_205 = arith.constant 0 : i32
    %dma_wait3A_206 = tpu.memref_slice %arg3[%add3A_34, %dma_wait3A_205] : memref<16384x6464xf32, #tpu.memory_space<hbm>> -> memref<16x6464xf32, #tpu.memory_space<hbm>>
    %dma_wait3A_207 = arith.constant 0 : i32
    %dma_wait3A_208 = tpu.memref_slice %arg3[%add3A_34, %dma_wait3A_207] : memref<16384x6464xf32, #tpu.memory_space<hbm>> -> memref<16x6464xf32, #tpu.memory_space<hbm>>
    tpu.wait_dma2 semaphore(%arg5 : memref<!tpu.dma_semaphore, #tpu.memory_space<semaphore_mem>>) src(%arg4 : memref<16x6464xf32, #tpu.memory_space<vmem>>) dst(%dma_wait3A_208 : memref<16x6464xf32, #tpu.memory_space<hbm>>)
    %dma_wait3A_209 = arith.constant 0 : i32
    %dma_wait3A_210 = tpu.memref_slice %arg3[%add3A_36, %dma_wait3A_209] : memref<16384x6464xf32, #tpu.memory_space<hbm>> -> memref<16x6464xf32, #tpu.memory_space<hbm>>
    %dma_wait3A_211 = arith.constant 0 : i32
    %dma_wait3A_212 = tpu.memref_slice %arg3[%add3A_36, %dma_wait3A_211] : memref<16384x6464xf32, #tpu.memory_space<hbm>> -> memref<16x6464xf32, #tpu.memory_space<hbm>>
    tpu.wait_dma2 semaphore(%arg5 : memref<!tpu.dma_semaphore, #tpu.memory_space<semaphore_mem>>) src(%arg4 : memref<16x6464xf32, #tpu.memory_space<vmem>>) dst(%dma_wait3A_212 : memref<16x6464xf32, #tpu.memory_space<hbm>>)
    %dma_wait3A_213 = arith.constant 0 : i32
    %dma_wait3A_214 = tpu.memref_slice %arg3[%add3A_38, %dma_wait3A_213] : memref<16384x6464xf32, #tpu.memory_space<hbm>> -> memref<16x6464xf32, #tpu.memory_space<hbm>>
    %dma_wait3A_215 = arith.constant 0 : i32
    %dma_wait3A_216 = tpu.memref_slice %arg3[%add3A_38, %dma_wait3A_215] : memref<16384x6464xf32, #tpu.memory_space<hbm>> -> memref<16x6464xf32, #tpu.memory_space<hbm>>
    tpu.wait_dma2 semaphore(%arg5 : memref<!tpu.dma_semaphore, #tpu.memory_space<semaphore_mem>>) src(%arg4 : memref<16x6464xf32, #tpu.memory_space<vmem>>) dst(%dma_wait3A_216 : memref<16x6464xf32, #tpu.memory_space<hbm>>)
    %dma_wait3A_217 = arith.constant 0 : i32
    %dma_wait3A_218 = tpu.memref_slice %arg3[%add3A_40, %dma_wait3A_217] : memref<16384x6464xf32, #tpu.memory_space<hbm>> -> memref<16x6464xf32, #tpu.memory_space<hbm>>
    %dma_wait3A_219 = arith.constant 0 : i32
    %dma_wait3A_220 = tpu.memref_slice %arg3[%add3A_40, %dma_wait3A_219] : memref<16384x6464xf32, #tpu.memory_space<hbm>> -> memref<16x6464xf32, #tpu.memory_space<hbm>>
    tpu.wait_dma2 semaphore(%arg5 : memref<!tpu.dma_semaphore, #tpu.memory_space<semaphore_mem>>) src(%arg4 : memref<16x6464xf32, #tpu.memory_space<vmem>>) dst(%dma_wait3A_220 : memref<16x6464xf32, #tpu.memory_space<hbm>>)
    %dma_wait3A_221 = arith.constant 0 : i32
    %dma_wait3A_222 = tpu.memref_slice %arg3[%add3A_42, %dma_wait3A_221] : memref<16384x6464xf32, #tpu.memory_space<hbm>> -> memref<16x6464xf32, #tpu.memory_space<hbm>>
    %dma_wait3A_223 = arith.constant 0 : i32
    %dma_wait3A_224 = tpu.memref_slice %arg3[%add3A_42, %dma_wait3A_223] : memref<16384x6464xf32, #tpu.memory_space<hbm>> -> memref<16x6464xf32, #tpu.memory_space<hbm>>
    tpu.wait_dma2 semaphore(%arg5 : memref<!tpu.dma_semaphore, #tpu.memory_space<semaphore_mem>>) src(%arg4 : memref<16x6464xf32, #tpu.memory_space<vmem>>) dst(%dma_wait3A_224 : memref<16x6464xf32, #tpu.memory_space<hbm>>)
    %dma_wait3A_225 = arith.constant 0 : i32
    %dma_wait3A_226 = tpu.memref_slice %arg3[%add3A_44, %dma_wait3A_225] : memref<16384x6464xf32, #tpu.memory_space<hbm>> -> memref<16x6464xf32, #tpu.memory_space<hbm>>
    %dma_wait3A_227 = arith.constant 0 : i32
    %dma_wait3A_228 = tpu.memref_slice %arg3[%add3A_44, %dma_wait3A_227] : memref<16384x6464xf32, #tpu.memory_space<hbm>> -> memref<16x6464xf32, #tpu.memory_space<hbm>>
    tpu.wait_dma2 semaphore(%arg5 : memref<!tpu.dma_semaphore, #tpu.memory_space<semaphore_mem>>) src(%arg4 : memref<16x6464xf32, #tpu.memory_space<vmem>>) dst(%dma_wait3A_228 : memref<16x6464xf32, #tpu.memory_space<hbm>>)
    %dma_wait3A_229 = arith.constant 0 : i32
    %dma_wait3A_230 = tpu.memref_slice %arg3[%add3A_46, %dma_wait3A_229] : memref<16384x6464xf32, #tpu.memory_space<hbm>> -> memref<16x6464xf32, #tpu.memory_space<hbm>>
    %dma_wait3A_231 = arith.constant 0 : i32
    %dma_wait3A_232 = tpu.memref_slice %arg3[%add3A_46, %dma_wait3A_231] : memref<16384x6464xf32, #tpu.memory_space<hbm>> -> memref<16x6464xf32, #tpu.memory_space<hbm>>
    tpu.wait_dma2 semaphore(%arg5 : memref<!tpu.dma_semaphore, #tpu.memory_space<semaphore_mem>>) src(%arg4 : memref<16x6464xf32, #tpu.memory_space<vmem>>) dst(%dma_wait3A_232 : memref<16x6464xf32, #tpu.memory_space<hbm>>)
    %dma_wait3A_233 = arith.constant 0 : i32
    %dma_wait3A_234 = tpu.memref_slice %arg3[%add3A_48, %dma_wait3A_233] : memref<16384x6464xf32, #tpu.memory_space<hbm>> -> memref<16x6464xf32, #tpu.memory_space<hbm>>
    %dma_wait3A_235 = arith.constant 0 : i32
    %dma_wait3A_236 = tpu.memref_slice %arg3[%add3A_48, %dma_wait3A_235] : memref<16384x6464xf32, #tpu.memory_space<hbm>> -> memref<16x6464xf32, #tpu.memory_space<hbm>>
    tpu.wait_dma2 semaphore(%arg5 : memref<!tpu.dma_semaphore, #tpu.memory_space<semaphore_mem>>) src(%arg4 : memref<16x6464xf32, #tpu.memory_space<vmem>>) dst(%dma_wait3A_236 : memref<16x6464xf32, #tpu.memory_space<hbm>>)
    %dma_wait3A_237 = arith.constant 0 : i32
    %dma_wait3A_238 = tpu.memref_slice %arg3[%add3A_50, %dma_wait3A_237] : memref<16384x6464xf32, #tpu.memory_space<hbm>> -> memref<16x6464xf32, #tpu.memory_space<hbm>>
    %dma_wait3A_239 = arith.constant 0 : i32
    %dma_wait3A_240 = tpu.memref_slice %arg3[%add3A_50, %dma_wait3A_239] : memref<16384x6464xf32, #tpu.memory_space<hbm>> -> memref<16x6464xf32, #tpu.memory_space<hbm>>
    tpu.wait_dma2 semaphore(%arg5 : memref<!tpu.dma_semaphore, #tpu.memory_space<semaphore_mem>>) src(%arg4 : memref<16x6464xf32, #tpu.memory_space<vmem>>) dst(%dma_wait3A_240 : memref<16x6464xf32, #tpu.memory_space<hbm>>)
    return
  }
}

module attributes {stable_mosaic.version = 14 : i64} {
  func.func @_tc_body(%arg0: i32, %arg1: memref<1x6464xf32, #tpu.memory_space<vmem>>, %arg2: memref<16384x6464xf32, #tpu.memory_space<any>>, %arg3: memref<128x6464xf32, #tpu.memory_space<vmem>>) attributes {dimension_semantics = [#tpu.dimension_semantics<arbitrary>], iteration_bounds = array<i64: 32>, scalar_prefetch = 0 : i64, scratch_operands = 0 : i64, tpu.core_type = #tpu.core_type<tc>, window_params = [{pipeline_mode = #tpu.pipeline_mode<synchronous>, transform_indices = @transform_0, window_bounds = array<i64: 1, 6464>}, {}, {transform_indices = @transform_2, window_bounds = array<i64: 128, 6464>}]} {
    %get3A = arith.constant 0 : index
    %get3A_0 = arith.constant 0 : index
    %get3A_1 = vector.load %arg1[%get3A, %get3A_0] : memref<1x6464xf32, #tpu.memory_space<vmem>>, vector<1x6464xf32>
    %broadcast_in_dim3A = vector.shape_cast %get3A_1 : vector<1x6464xf32> to vector<1x6464xf32>
    %broadcast_in_dim3A_2 = vector.broadcast %broadcast_in_dim3A : vector<1x6464xf32> to vector<128x6464xf32>
    %swap3A = arith.constant 0 : index
    %swap3A_3 = arith.constant 0 : index
    %swap3A_4 = vector.load %arg3[%swap3A, %swap3A_3] : memref<128x6464xf32, #tpu.memory_space<vmem>>, vector<128x6464xf32>
    tpu.vector_store %arg3[%swap3A, %swap3A_3], %broadcast_in_dim3A_2 {strides = array<i32>} : memref<128x6464xf32, #tpu.memory_space<vmem>>, vector<128x6464xf32>,
    return
  }
  func.func @transform_0(%arg0: i32) -> (i32, i32) {
    %c0_i32 = arith.constant 0 : i32
    %c0_i32_0 = arith.constant 0 : i32
    %c0_i32_1 = arith.constant 0 : i32
    return %c0_i32, %c0_i32_0 : i32, i32
  }
  func.func @transform_2(%arg0: i32) -> (i32, i32) {
    %add3A = arith.constant 96 : i32
    %add3A_0 = arith.addi %arg0, %add3A : i32
    %c0_i32 = arith.constant 0 : i32
    %c0_i32_1 = arith.constant 0 : i32
    return %add3A_0, %c0_i32 : i32, i32
  }
}

</mosaic_0001>

<sc_bundles>
// kernel: kernel.4.cloned.1.call-start
scs
__scs_entry_jumppad:
0x0: {  	(pc) =	sbr.rel $0x88, $3  }
0x1: {  	(tag) =	ssettag $0x0;
	lr =	simm.s32 $0x1  }
0x2: {  	[smem:$0x3F9F] =	sst lr;
	_ =	strace $0xD0000000  }
0x3: {  	_ = 	snop  }
0x4: {  	_ = 	snop  }
0x5: {  	_ = 	snop  }
0x6: {  	_ = 	snop  }
0x7: {  	_ = 	snop  }
__scs_overlays_trampoline_lowered:
0x8: {  	[smem:$0x3FAE] =	sst s0  }
0x9: {  	[smem:$0x3FAF] =	sst s1  }
0xa: {  	[smem:$0x3FB0] =	sst s2  }
0xb: {  	[smem:$0x3FB1] =	sst s3  }
0xc: {  	[smem:$0x3FB2] =	sst s4  }
0xd: {  	[smem:$0x3FB3] =	sst s5  }
0xe: {  	[smem:$0x3FB4] =	sst s6  }
0xf: {  	[smem:$0x3FB5] =	sst s7  }
0x10: {  	[smem:$0x3FB6] =	sst s8  }
0x11: {  	[smem:$0x3FB7] =	sst s9;
	s0 =	simm.s32 @!p0 $0x0  }
0x12: {  	s1 =	sld [smem:$0x3F9D];
	s0 =	simm.s32 @p0 $0x1  }
0x13: {  	[smem:$0x3FB8] =	sst s0;
	s0 =	simm.s32 @!p1 $0x0  }
0x14: {  	s2 =	sld [smem:$0x3F9C];
	s0 =	simm.s32 @p1 $0x1  }
0x15: {  	[smem:$0x3FB9] =	sst s0;
	s0 =	simm.s32 @!p2 $0x0  }
0x16: {  	s3 =	sld [smem:$0x3FDB];
	s0 =	simm.s32 @p2 $0x1  }
0x17: {  	s4 =	simm.s32 $0x1BF5;
	[smem:$0x3FBB] =	sst s0  }
0x18: {  	s0 =	sld [smem:$0x3F9E];
	_ =	swait.ge [sflag:s4], $0x0  }
0x19: {  	s7 =	sld [smem:$0x3F9F]  }
0x1a: {  	s8 =	sadd.s32 $0xFFFFE003, lr  }
0x1b: {  	s9 =	sadd.s32 $0xFFFFFEF7, lr;
	s5 =	simm.s32 $0xFFFFFFFF;
	p2 =	slt.u32 s8, $0xFFFFF086  }
0x1c: {  	p1 =	slt.u32 s9, $0xF7A;
	s5 =	simm.s32 @!p2 $0x0  }
0x1d: {  	s5 =	simm.s32 @p1 $0x1;
	p0 =	seq.s32 s7, s2  }
0x1e: {  	s7 =	smul.u32 @!p0 $0xF7A, s2;
	p2 =	seq.s32 @!p0 s5, $0x0  }
0x1f: {  	s9 =	smul.u32 $0xF7A, s1;
	s8 =	simm.s32 @!p0 $0x1BF5;
	p2 =	por !p2, p0  }
0x20: {  	[sflag:s8] =	ssyncset.s32 @!p0 $0xFFFFF086;
	s6 =	sadd.s32 @!p0 s3, s7;
	s7 =	simm.s32 @!p0 $0x108  }
0x21: {  	s3 =	sadd.s32 s3, s9;
	s6 =	sadd.s32 @!p0 $0x88, s6;
	s7 =	simm.s32 @p2 $0x1082  }
0x22: {  	[simem:s7], [sflag:s8] =	dma.local @!p0 [hbm:s6], $0xF7A  }
0x23: {  	s9 =	sor.u32 $0xD0000000, s2;
	s6 =	simm.s32 $0x108;
	_ =	swait.ge @!p0 [sflag:s8], $0x0  }
0x24: {  	s3 =	sadd.s32 $0x88, s3;
	s6 =	simm.s32 @!p1 $0x1082;
	[sflag:s4] =	ssyncset.s32 $0xFFFFF086  }
0x25: {  	[simem:s6], [sflag:s4] =	dma.local [hbm:s3], $0xF7A  }
0x26: {  	[smem:$0x3F9F] =	sst s1;
	(tag) =	ssettag s2;
	_ =	strace s9  }
0x27: {  	s1 =	sld [smem:$0x3FAF]  }
0x28: {  	s2 =	sld [smem:$0x3FB0]  }
0x29: {  	s4 =	sld [smem:$0x3FB2]  }
0x2a: {  	p0 =	seq.s32 s5, $0x0;
	s5 =	sld [smem:$0x3FB3]  }
0x2b: {  	s6 =	sld [smem:$0x3FB4]  }
0x2c: {  	s7 =	sld [smem:$0x3FB5]  }
0x2d: {  	s3 =	simm.s32 $0x108;
	s8 =	sld [smem:$0x3FB6]  }
0x2e: {  	s3 =	simm.s32 @!p0 $0x1082;
	s9 =	sld [smem:$0x3FB7]  }
0x2f: {  	lr =	sadd.s32 s0, s3;
	s0 =	sld [smem:$0x3FAE]  }
0x30: {  	s3 =	sld [smem:$0x3FB1]  }
0x31: {  	[smem:$0x3FBA] =	sst s10  }
0x32: {  	s10 =	sld [smem:$0x3FB8];
	_ =	sdelay $0x3  }
0x33: {  	p0 =	seq.s32 s10, $0x1;
	s10 =	sld [smem:$0x3FBA];
	_ =	sdelay $0x3  }
0x34: {  	[smem:$0x3FBA] =	sst s10  }
0x35: {  	s10 =	sld [smem:$0x3FB9];
	_ =	sdelay $0x3  }
0x36: {  	p1 =	seq.s32 s10, $0x1;
	s10 =	sld [smem:$0x3FBA];
	_ =	sdelay $0x3  }
0x37: {  	[smem:$0x3FBA] =	sst s10  }
0x38: {  	s10 =	sld [smem:$0x3FBB]  }
0x39: {  	_ = 	snop;
	(pc) =	sbr.ind lr, $3  }
0x3a: {  	_ = 	snop  }
0x3b: {  	_ = 	snop  }
0x3c: {  	p2 =	seq.s32 s10, $0x1;
	s10 =	sld [smem:$0x3FBA]  }
0x3d: {  	_ =	shalt  }
0x3e: {  	_ =	shalt  }
0x3f: {  	_ =	shalt  }
0x40: {  	_ =	shalt  }
0x41: {  	_ =	shalt  }
0x42: {  	_ =	shalt  }
0x43: {  	_ =	shalt  }
0x44: {  	_ =	shalt  }
0x45: {  	_ =	shalt  }
0x46: {  	_ =	shalt  }
0x47: {  	_ =	shalt  }
0x48: {  	_ =	shalt  }
0x49: {  	_ =	shalt  }
0x4a: {  	_ =	shalt  }
0x4b: {  	_ =	shalt  }
0x4c: {  	_ =	shalt  }
0x4d: {  	_ =	shalt  }
0x4e: {  	_ =	shalt  }
0x4f: {  	_ =	shalt  }
0x50: {  	_ =	shalt  }
0x51: {  	_ =	shalt  }
0x52: {  	_ =	shalt  }
0x53: {  	_ =	shalt  }
0x54: {  	_ =	shalt  }
0x55: {  	_ =	shalt  }
0x56: {  	_ =	shalt  }
0x57: {  	_ =	shalt  }
0x58: {  	_ =	shalt  }
0x59: {  	_ =	shalt  }
0x5a: {  	_ =	shalt  }
0x5b: {  	_ =	shalt  }
0x5c: {  	_ =	shalt  }
0x5d: {  	_ =	shalt  }
0x5e: {  	_ =	shalt  }
0x5f: {  	_ =	shalt  }
0x60: {  	_ =	shalt  }
0x61: {  	_ =	shalt  }
0x62: {  	_ =	shalt  }
0x63: {  	_ =	shalt  }
0x64: {  	_ =	shalt  }
0x65: {  	_ =	shalt  }
0x66: {  	_ =	shalt  }
0x67: {  	_ =	shalt  }
0x68: {  	_ =	shalt  }
0x69: {  	_ =	shalt  }
0x6a: {  	_ =	shalt  }
0x6b: {  	_ =	shalt  }
0x6c: {  	_ =	shalt  }
0x6d: {  	_ =	shalt  }
0x6e: {  	_ =	shalt  }
0x6f: {  	_ =	shalt  }
0x70: {  	_ =	shalt  }
0x71: {  	_ =	shalt  }
0x72: {  	_ =	shalt  }
0x73: {  	_ =	shalt  }
0x74: {  	_ =	shalt  }
0x75: {  	_ =	shalt  }
0x76: {  	_ =	shalt  }
0x77: {  	_ =	shalt  }
0x78: {  	_ =	shalt  }
0x79: {  	_ =	shalt  }
0x7a: {  	_ =	shalt  }
0x7b: {  	_ =	shalt  }
0x7c: {  	_ =	shalt  }
0x7d: {  	_ =	shalt  }
0x7e: {  	_ =	shalt  }
0x7f: {  	_ =	shalt  }
0x80: {  	_ =	shalt  }
0x81: {  	_ =	shalt  }
0x82: {  	_ =	shalt  }
0x83: {  	_ =	shalt  }
0x84: {  	_ =	shalt  }
0x85: {  	_ =	shalt  }
0x86: {  	_ =	shalt  }
0x87: {  	_ =	shalt  }
.Lfunc_end0:
.L_simem_size_0:
called_computation_lowered:
.L_overlay_start_0:
0x88: {  	s2 =	sld [smem:$0x3FD9]  }
0x89: {  	s3 =	sld [smem:$0x3FFE];
	_ =	sdelay $0x1  }
0x8a: {  	s1 =	srdreg.scid  }
0x8b: {  	s0 =	sand.u32 $0x1, s1  }
0x8c: {  	s17 =	sshll.u32 s0, $0xA;
	s2 =	sadd.s32 s3, s2  }
0x8d: {  	s2 =	sadd.s32 s2, s17  }
0x8e: {  	[smem:$0x3FC6] =	sst s2  }
0x8f: {  	_ = 	snop  }
0x90: {  	s2 =	sld [smem:$0x3FD0];
	(tm) =	ssettm $0x1  }
0x91: {  	s18 =	sld [smem:$0x3FFB];
	_ =	sdelay $0x3  }
0x92: {  	_ =	strace s18  }
0x93: {  	s3 =	sld [smem:$0x3FFC];
	_ =	sdelay $0x3  }
0x94: {  	_ =	strace s3  }
0x95: {  	s3 =	sld [smem:$0x3FFD];
	_ =	sdelay $0x3  }
0x96: {  	_ =	strace s3  }
0x97: {  	_ =	strace $0x8FFFFFFF  }
0x98: {  	s19 =	sld [smem:$0x3FDB];
	_ =	sdelay $0x1  }
0x99: {  	s4 =	simm.s32 $_scs_section_size  }
0x9a: {  	s5 =	simm.s32 $_size__tile_overlayer_lowered;
	s6 =	simm.s32 $_tile_overlayer_lowered  }
0x9b: {  	s22 =	simm.s32 $0x1BFF;
	s21 =	sshll.u32 s6, $0x1;
	s3 =	sadd.s32 s4, s19  }
0x9c: {  	s7 =	simm.s32 $0x0;
	s20 =	sshll.u32 s5, $0x1;
	s5 =	sadd.s32 s21, s3  }
0x9d: {  	[timem:s7], [sflag:s22] =	dma.local [hbm:s5], s20  }
0x9e: {  	_ =	swait.ge [sflag:s22], s20  }
0x9f: {  	s4 =	ssub.s32 $0x0, s20;
	[sflag:s22] =	ssyncset.done $0x0  }
0xa0: {  	[sflag:s22] =	ssyncadd.s32 s4;
	_ =	sdelay $0x1  }
0xa1: {  	s23 =	simm.s32 $0x1B8B  }
0xa2: {  	_ =	swait.ge [sflag:s23], $0x1  }
0xa3: {  	[sflag:s23] =	ssyncset.done $0x0  }
0xa4: {  	s25 =	simm.s32 $0x1B8E;
	s24 =	sld [smem:$0x3FFE];
	[sflag:s23] =	ssyncadd.s32 $0xFFFFFFFF  }
0xa5: {  	s26 =	simm.s32 $execute0_lowered;
	[smem:$0x3FD2] =	sst s25  }
0xa6: {  	s5 =	sshll.u32 s26, $0x1;
	_ =	strace $0x80000046;
	[dreg:$0x1] =	wrdreg $0xFFFFFFFF  }
0xa7: {  	s28 =	simm.s32 $_size_execute0_lowered;
	s3 =	sadd.s32 s3, s5;
	[dreg:$0x0] =	wrdreg $0x0  }
0xa8: {  	s5 =	sshll.u32 s28, $0x1;
	[dreg:$0x2] =	wrdreg s3  }
0xa9: {  	[dreg:$0x3] =	wrdreg s5  }
0xaa: {  	[dreg:$0x4] =	wrdreg $0xC0  }
0xab: {  	_ =	task [dreg:s7], $0x5FFFF  }
0xac: {  	[dreg:$0x1] =	wrdreg $0xFFFFFFFF  }
0xad: {  	[dreg:$0x0] =	wrdreg $0x60  }
0xae: {  	[dreg:$0x2] =	wrdreg s2  }
0xaf: {  	[dreg:$0x3] =	wrdreg s24  }
0xb0: {  	[dreg:$0x4] =	wrdreg $0x9  }
0xb1: {  	_ =	task.clear_ibuf [dreg:s7], $0x5FFFF;
	_ =	strace $0x90000046  }
0xb2: {  	s29 =	simm.s32 $0x9;
	_ =	strace $0x80000048  }
0xb3: {  	_ =	swait.ge [sflag:s29], $0x1  }
0xb4: {  	[sflag:s29] =	ssyncadd.s32 $0xFFFFFFFF  }
0xb5: {  	_ =	strace $0x90000048  }
0xb6: {  	_ =	sfence  }
0xb7: {  	s30 =	sld [smem:$0x0];
	_ =	sdelay $0x2  }
0xb8: {  	s31 =	sshll.u32 s1, $0xD;
	s1 =	sshrl.u32 s1, $0x2  }
0xb9: {  	s3 =	sand.u32 $0x4000, s31;
	s1 =	sadd.s32 s1, s30  }
0xba: {  	s0 =	sor.u32 s3, s0;
	s1 =	sshll.u32 s1, $0x11  }
0xbb: {  	s0 =	sor.u32 s1, s0  }
0xbc: {  	s0 =	sadd.s32 $0x8F2B, s0  }
0xbd: {  	[sflag:s0] =	ssyncadd.remote.s32 $0x1  }
0xbe: {  	_ =	sfence.sel $0xFFFF  }
0xbf: {  	[dreg:$0x0] =	wrdreg $0xFFFFFFFF;
	(pc) =	sbr.abs _section_cstart, $3  }
0xc0: {  	[dreg:$0x1] =	wrdreg $0xFFFFFFFF  }
0xc1: {  	_ =	task.clear_ibuf [dreg:s7], $0x2FFFF;
	_ =	strace $0x9FFFFFFF  }
0xc2: {  	(tm) =	ssettm $0x7FFFFFFF  }
0xc3: {  	_ =	shalt  }
tec
execute0_lowered:
.L_overlay_start_1:
0x0: {  	(tag) =	ssettag $0x1  }
0x1: {  	s1 =	srdreg.scid  }
0x2: {  	s0 =	stileid.u32;
	s2 =	rddreg [dreg:$0x0]  }
0x3: {  	s3 =	simm.s32 $0x0;
	s31 =	sand.u32 $0x1, s1;
	s26 =	sshll.u32 s0, $0x1  }
0x4: {  	[smem:$0x7FF] =	sst s3;
	s1 =	sor.u32 s31, s26  }
0x5: {  	s5 =	rddreg [dreg:$0x1];
	_ =	strace $0x80000047;
	s4 =	smul.u32 $0x180, s1  }
0x6: {  	[tilespmem:s3], [sflag:$0x2] =	stream.linear.gather [hbm4b:s2+s3], $0x19800, $0x38;
	[tilespmem:$0x19800] =	vst v63  }
0x7: {  	s6 =	sshrl.u32 s4, $0x3  }
0x8: {  	s4 =	simm.s32 $0x2;
	s7 =	smul.u32 $0xCC00, s6  }
0x9: {  	s6 =	smul.u32 $0x1980, s6;
	_ =	swait.ge [sflag:s4], $0x19800  }
0xa: {  	s8 =	sadd.s32 $0xE00, s5;
	[sflag:s4] =	ssyncset.done $0x0;
	s7 =	sshrl.u32 s7, $0x3  }
0xb: {  	s5 =	sadd.s32 s8, s6;
	[sflag:s4] =	ssyncadd.s32 $0xFFFE6800;
	s12 =	sadd.s32 s8, s7  }
0xc: {  	[hbm4b:s5+s3] =	stream.linear.scatter [tilespmem:s3], [sflag:$0x1], $0x19800, $0x38;
	[tilespmem:$0x19800] =	vst v63  }
0xd: {  	s6 =	sadd.s32 $0x3300, s12  }
0xe: {  	[hbm4b:s6+s3] =	stream.linear.scatter [tilespmem:s3], [sflag:$0x1], $0x19800, $0x38;
	[tilespmem:$0x19800] =	vst v63  }
0xf: {  	s7 =	sadd.s32 $0x6600, s12  }
0x10: {  	[hbm4b:s7+s3] =	stream.linear.scatter [tilespmem:s3], [sflag:$0x1], $0x19800, $0x38;
	[tilespmem:$0x19800] =	vst v63  }
0x11: {  	s8 =	sadd.s32 $0x9900, s12  }
0x12: {  	[hbm4b:s8+s3] =	stream.linear.scatter [tilespmem:s3], [sflag:$0x1], $0x19800, $0x38;
	[tilespmem:$0x19800] =	vst v63  }
0x13: {  	s9 =	sadd.s32 $0xCC00, s12  }
0x14: {  	[hbm4b:s9+s3] =	stream.linear.scatter [tilespmem:s3], [sflag:$0x1], $0x19800, $0x38;
	[tilespmem:$0x19800] =	vst v63  }
0x15: {  	s10 =	sadd.s32 $0xFF00, s12  }
0x16: {  	[hbm4b:s10+s3] =	stream.linear.scatter [tilespmem:s3], [sflag:$0x1], $0x19800, $0x38;
	[tilespmem:$0x19800] =	vst v63  }
0x17: {  	s11 =	sadd.s32 $0x13200, s12  }
0x18: {  	[hbm4b:s11+s3] =	stream.linear.scatter [tilespmem:s3], [sflag:$0x1], $0x19800, $0x38;
	[tilespmem:$0x19800] =	vst v63  }
0x19: {  	s12 =	sadd.s32 $0x16500, s12  }
0x1a: {  	[hbm4b:s12+s3] =	stream.linear.scatter [tilespmem:s3], [sflag:$0x1], $0x19800, $0x38;
	[tilespmem:$0x19800] =	vst v63  }
0x1b: {  	s13 =	sadd.s32 $0x19800, s5  }
0x1c: {  	[hbm4b:s13+s3] =	stream.linear.scatter [tilespmem:s3], [sflag:$0x1], $0x19800, $0x38;
	[tilespmem:$0x19800] =	vst v63  }
0x1d: {  	s14 =	sadd.s32 $0x1CB00, s5  }
0x1e: {  	[hbm4b:s14+s3] =	stream.linear.scatter [tilespmem:s3], [sflag:$0x1], $0x19800, $0x38;
	[tilespmem:$0x19800] =	vst v63  }
0x1f: {  	s15 =	sadd.s32 $0x1FE00, s5  }
0x20: {  	[hbm4b:s15+s3] =	stream.linear.scatter [tilespmem:s3], [sflag:$0x1], $0x19800, $0x38;
	[tilespmem:$0x19800] =	vst v63  }
0x21: {  	s16 =	sadd.s32 $0x23100, s5  }
0x22: {  	[hbm4b:s16+s3] =	stream.linear.scatter [tilespmem:s3], [sflag:$0x1], $0x19800, $0x38;
	[tilespmem:$0x19800] =	vst v63  }
0x23: {  	s17 =	sadd.s32 $0x26400, s5  }
0x24: {  	[hbm4b:s17+s3] =	stream.linear.scatter [tilespmem:s3], [sflag:$0x1], $0x19800, $0x38;
	[tilespmem:$0x19800] =	vst v63  }
0x25: {  	s18 =	sadd.s32 $0x29700, s5  }
0x26: {  	[hbm4b:s18+s3] =	stream.linear.scatter [tilespmem:s3], [sflag:$0x1], $0x19800, $0x38;
	[tilespmem:$0x19800] =	vst v63  }
0x27: {  	s19 =	sadd.s32 $0x2CA00, s5  }
0x28: {  	[hbm4b:s19+s3] =	stream.linear.scatter [tilespmem:s3], [sflag:$0x1], $0x19800, $0x38;
	[tilespmem:$0x19800] =	vst v63  }
0x29: {  	s20 =	sadd.s32 $0x2FD00, s5  }
0x2a: {  	[hbm4b:s20+s3] =	stream.linear.scatter [tilespmem:s3], [sflag:$0x1], $0x19800, $0x38;
	[tilespmem:$0x19800] =	vst v63  }
0x2b: {  	s21 =	sadd.s32 $0x33000, s5  }
0x2c: {  	[hbm4b:s21+s3] =	stream.linear.scatter [tilespmem:s3], [sflag:$0x1], $0x19800, $0x38;
	[tilespmem:$0x19800] =	vst v63  }
0x2d: {  	s22 =	sadd.s32 $0x36300, s5  }
0x2e: {  	[hbm4b:s22+s3] =	stream.linear.scatter [tilespmem:s3], [sflag:$0x1], $0x19800, $0x38;
	[tilespmem:$0x19800] =	vst v63  }
0x2f: {  	s23 =	sadd.s32 $0x39600, s5  }
0x30: {  	[hbm4b:s23+s3] =	stream.linear.scatter [tilespmem:s3], [sflag:$0x1], $0x19800, $0x38;
	[tilespmem:$0x19800] =	vst v63  }
0x31: {  	s24 =	sadd.s32 $0x3C900, s5  }
0x32: {  	[hbm4b:s24+s3] =	stream.linear.scatter [tilespmem:s3], [sflag:$0x1], $0x19800, $0x38;
	[tilespmem:$0x19800] =	vst v63  }
0x33: {  	s25 =	sadd.s32 $0x3FC00, s5  }
0x34: {  	[hbm4b:s25+s3] =	stream.linear.scatter [tilespmem:s3], [sflag:$0x1], $0x19800, $0x38;
	[tilespmem:$0x19800] =	vst v63  }
0x35: {  	s26 =	sadd.s32 $0x42F00, s5  }
0x36: {  	[hbm4b:s26+s3] =	stream.linear.scatter [tilespmem:s3], [sflag:$0x1], $0x19800, $0x38;
	[tilespmem:$0x19800] =	vst v63  }
0x37: {  	s28 =	sadd.s32 $0x46200, s5  }
0x38: {  	[hbm4b:s28+s3] =	stream.linear.scatter [tilespmem:s3], [sflag:$0x1], $0x19800, $0x38;
	[tilespmem:$0x19800] =	vst v63  }
0x39: {  	s30 =	simm.s32 $0x1;
	s29 =	sadd.s32 $0x49500, s5  }
0x3a: {  	[hbm4b:s29+s3] =	stream.linear.scatter [tilespmem:s3], [sflag:$0x1], $0x19800, $0x38;
	[tilespmem:$0x19800] =	vst v63  }
0x3b: {  	_ =	swait.ge [sflag:s30], $0x19800  }
0x3c: {  	[sflag:s30] =	ssyncset.done $0x0  }
0x3d: {  	[sflag:s30] =	ssyncadd.s32 $0xFFFE6800  }
0x3e: {  	_ =	swait.ge [sflag:s30], $0x19800  }
0x3f: {  	[sflag:s30] =	ssyncset.done $0x0  }
0x40: {  	[sflag:s30] =	ssyncadd.s32 $0xFFFE6800  }
0x41: {  	_ =	swait.ge [sflag:s30], $0x19800  }
0x42: {  	[sflag:s30] =	ssyncset.done $0x0  }
0x43: {  	[sflag:s30] =	ssyncadd.s32 $0xFFFE6800  }
0x44: {  	_ =	swait.ge [sflag:s30], $0x19800  }
0x45: {  	[sflag:s30] =	ssyncset.done $0x0  }
0x46: {  	[sflag:s30] =	ssyncadd.s32 $0xFFFE6800  }
0x47: {  	_ =	swait.ge [sflag:s30], $0x19800  }
0x48: {  	[sflag:s30] =	ssyncset.done $0x0  }
0x49: {  	[sflag:s30] =	ssyncadd.s32 $0xFFFE6800  }
0x4a: {  	_ =	swait.ge [sflag:s30], $0x19800  }
0x4b: {  	[sflag:s30] =	ssyncset.done $0x0  }
0x4c: {  	[sflag:s30] =	ssyncadd.s32 $0xFFFE6800  }
0x4d: {  	_ =	swait.ge [sflag:s30], $0x19800  }
0x4e: {  	[sflag:s30] =	ssyncset.done $0x0  }
0x4f: {  	[sflag:s30] =	ssyncadd.s32 $0xFFFE6800  }
0x50: {  	_ =	swait.ge [sflag:s30], $0x19800  }
0x51: {  	[sflag:s30] =	ssyncset.done $0x0  }
0x52: {  	[sflag:s30] =	ssyncadd.s32 $0xFFFE6800  }
0x53: {  	_ =	swait.ge [sflag:s30], $0x19800  }
0x54: {  	[sflag:s30] =	ssyncset.done $0x0  }
0x55: {  	[sflag:s30] =	ssyncadd.s32 $0xFFFE6800  }
0x56: {  	_ =	swait.ge [sflag:s30], $0x19800  }
0x57: {  	[sflag:s30] =	ssyncset.done $0x0  }
0x58: {  	[sflag:s30] =	ssyncadd.s32 $0xFFFE6800  }
0x59: {  	_ =	swait.ge [sflag:s30], $0x19800  }
0x5a: {  	[sflag:s30] =	ssyncset.done $0x0  }
0x5b: {  	[sflag:s30] =	ssyncadd.s32 $0xFFFE6800  }
0x5c: {  	_ =	swait.ge [sflag:s30], $0x19800  }
0x5d: {  	[sflag:s30] =	ssyncset.done $0x0  }
0x5e: {  	[sflag:s30] =	ssyncadd.s32 $0xFFFE6800  }
0x5f: {  	_ =	swait.ge [sflag:s30], $0x19800  }
0x60: {  	[sflag:s30] =	ssyncset.done $0x0  }
0x61: {  	[sflag:s30] =	ssyncadd.s32 $0xFFFE6800  }
0x62: {  	_ =	swait.ge [sflag:s30], $0x19800  }
0x63: {  	[sflag:s30] =	ssyncset.done $0x0  }
0x64: {  	[sflag:s30] =	ssyncadd.s32 $0xFFFE6800  }
0x65: {  	_ =	swait.ge [sflag:s30], $0x19800  }
0x66: {  	[sflag:s30] =	ssyncset.done $0x0  }
0x67: {  	[sflag:s30] =	ssyncadd.s32 $0xFFFE6800  }
0x68: {  	_ =	swait.ge [sflag:s30], $0x19800  }
0x69: {  	[sflag:s30] =	ssyncset.done $0x0  }
0x6a: {  	[sflag:s30] =	ssyncadd.s32 $0xFFFE6800  }
0x6b: {  	_ =	swait.ge [sflag:s30], $0x19800  }
0x6c: {  	[sflag:s30] =	ssyncset.done $0x0  }
0x6d: {  	[sflag:s30] =	ssyncadd.s32 $0xFFFE6800  }
0x6e: {  	_ =	swait.ge [sflag:s30], $0x19800  }
0x6f: {  	[sflag:s30] =	ssyncset.done $0x0  }
0x70: {  	[sflag:s30] =	ssyncadd.s32 $0xFFFE6800  }
0x71: {  	_ =	swait.ge [sflag:s30], $0x19800  }
0x72: {  	[sflag:s30] =	ssyncset.done $0x0  }
0x73: {  	[sflag:s30] =	ssyncadd.s32 $0xFFFE6800  }
0x74: {  	_ =	swait.ge [sflag:s30], $0x19800  }
0x75: {  	[sflag:s30] =	ssyncset.done $0x0  }
0x76: {  	[sflag:s30] =	ssyncadd.s32 $0xFFFE6800  }
0x77: {  	_ =	swait.ge [sflag:s30], $0x19800  }
0x78: {  	s31 =	ssub.s32 $0x2, s31;
	[sflag:s30] =	ssyncset.done $0x0  }
0x79: {  	s1 =	sshrl.u32 s31, $0x1;
	[sflag:s30] =	ssyncadd.s32 $0xFFFE6800  }
0x7a: {  	s1 =	ssub.s32 s31, s1;
	_ =	swait.ge [sflag:s30], $0x19800  }
0x7b: {  	s1 =	smax.u32 s1, $0x1;
	[sflag:s30] =	ssyncset.done $0x0  }
0x7c: {  	p0 =	sne.s32 s1, $0x1;
	[sflag:s30] =	ssyncadd.s32 $0xFFFE6800  }
.Ltmp0:
0x7d: {  	_ =	swait.ge [sflag:s30], $0x19800;
	(pc) =	sbr.rel @!p0 .LBB2_2-.Ltmp0, $4  }
0x7e: {  	[sflag:s30] =	ssyncset.done $0x0  }
0x7f: {  	[sflag:s30] =	ssyncadd.s32 $0xFFFE6800  }
0x80: {  	_ =	swait.ge [sflag:s30], $0x19800  }
0x81: {  	s31 =	sadd.s32 $0xFFFFFFFF, s1;
	[sflag:s30] =	ssyncset.done $0x0  }
.LBB2_1:
0x82: {  	p0 =	sne.s32 s31, $0x1;
	s31 =	sadd.s32 $0xFFFFFFFF, s31;
	[sflag:s30] =	ssyncadd.s32 $0xFFFE6800  }
0x83: {  	[tilespmem:s3], [sflag:$0x2] =	stream.linear.gather [hbm4b:s2+s3], $0x19800, $0x38;
	[tilespmem:$0x19800] =	vst v63  }
0x84: {  	_ =	swait.ge [sflag:s4], $0x19800  }
0x85: {  	[sflag:s4] =	ssyncset.done $0x0  }
0x86: {  	[sflag:s4] =	ssyncadd.s32 $0xFFFE6800  }
0x87: {  	[hbm4b:s5+s3] =	stream.linear.scatter [tilespmem:s3], [sflag:$0x1], $0x19800, $0x38;
	[tilespmem:$0x19800] =	vst v63  }
0x88: {  	_ = 	snop  }
0x89: {  	[hbm4b:s6+s3] =	stream.linear.scatter [tilespmem:s3], [sflag:$0x1], $0x19800, $0x38;
	[tilespmem:$0x19800] =	vst v63  }
0x8a: {  	_ = 	snop  }
0x8b: {  	[hbm4b:s7+s3] =	stream.linear.scatter [tilespmem:s3], [sflag:$0x1], $0x19800, $0x38;
	[tilespmem:$0x19800] =	vst v63  }
0x8c: {  	_ = 	snop  }
0x8d: {  	[hbm4b:s8+s3] =	stream.linear.scatter [tilespmem:s3], [sflag:$0x1], $0x19800, $0x38;
	[tilespmem:$0x19800] =	vst v63  }
0x8e: {  	_ = 	snop  }
0x8f: {  	[hbm4b:s9+s3] =	stream.linear.scatter [tilespmem:s3], [sflag:$0x1], $0x19800, $0x38;
	[tilespmem:$0x19800] =	vst v63  }
0x90: {  	_ = 	snop  }
0x91: {  	[hbm4b:s10+s3] =	stream.linear.scatter [tilespmem:s3], [sflag:$0x1], $0x19800, $0x38;
	[tilespmem:$0x19800] =	vst v63  }
0x92: {  	_ = 	snop  }
0x93: {  	[hbm4b:s11+s3] =	stream.linear.scatter [tilespmem:s3], [sflag:$0x1], $0x19800, $0x38;
	[tilespmem:$0x19800] =	vst v63  }
0x94: {  	_ = 	snop  }
0x95: {  	[hbm4b:s12+s3] =	stream.linear.scatter [tilespmem:s3], [sflag:$0x1], $0x19800, $0x38;
	[tilespmem:$0x19800] =	vst v63  }
0x96: {  	_ = 	snop  }
0x97: {  	[hbm4b:s13+s3] =	stream.linear.scatter [tilespmem:s3], [sflag:$0x1], $0x19800, $0x38;
	[tilespmem:$0x19800] =	vst v63  }
0x98: {  	_ = 	snop  }
0x99: {  	[hbm4b:s14+s3] =	stream.linear.scatter [tilespmem:s3], [sflag:$0x1], $0x19800, $0x38;
	[tilespmem:$0x19800] =	vst v63  }
0x9a: {  	_ = 	snop  }
0x9b: {  	[hbm4b:s15+s3] =	stream.linear.scatter [tilespmem:s3], [sflag:$0x1], $0x19800, $0x38;
	[tilespmem:$0x19800] =	vst v63  }
0x9c: {  	_ = 	snop  }
0x9d: {  	[hbm4b:s16+s3] =	stream.linear.scatter [tilespmem:s3], [sflag:$0x1], $0x19800, $0x38;
	[tilespmem:$0x19800] =	vst v63  }
0x9e: {  	_ = 	snop  }
0x9f: {  	[hbm4b:s17+s3] =	stream.linear.scatter [tilespmem:s3], [sflag:$0x1], $0x19800, $0x38;
	[tilespmem:$0x19800] =	vst v63  }
0xa0: {  	_ = 	snop  }
0xa1: {  	[hbm4b:s18+s3] =	stream.linear.scatter [tilespmem:s3], [sflag:$0x1], $0x19800, $0x38;
	[tilespmem:$0x19800] =	vst v63  }
0xa2: {  	_ = 	snop  }
0xa3: {  	[hbm4b:s19+s3] =	stream.linear.scatter [tilespmem:s3], [sflag:$0x1], $0x19800, $0x38;
	[tilespmem:$0x19800] =	vst v63  }
0xa4: {  	_ = 	snop  }
0xa5: {  	[hbm4b:s20+s3] =	stream.linear.scatter [tilespmem:s3], [sflag:$0x1], $0x19800, $0x38;
	[tilespmem:$0x19800] =	vst v63  }
0xa6: {  	_ = 	snop  }
0xa7: {  	[hbm4b:s21+s3] =	stream.linear.scatter [tilespmem:s3], [sflag:$0x1], $0x19800, $0x38;
	[tilespmem:$0x19800] =	vst v63  }
0xa8: {  	_ = 	snop  }
0xa9: {  	[hbm4b:s22+s3] =	stream.linear.scatter [tilespmem:s3], [sflag:$0x1], $0x19800, $0x38;
	[tilespmem:$0x19800] =	vst v63  }
0xaa: {  	_ = 	snop  }
0xab: {  	[hbm4b:s23+s3] =	stream.linear.scatter [tilespmem:s3], [sflag:$0x1], $0x19800, $0x38;
	[tilespmem:$0x19800] =	vst v63  }
0xac: {  	_ = 	snop  }
0xad: {  	[hbm4b:s24+s3] =	stream.linear.scatter [tilespmem:s3], [sflag:$0x1], $0x19800, $0x38;
	[tilespmem:$0x19800] =	vst v63  }
0xae: {  	_ = 	snop  }
0xaf: {  	[hbm4b:s25+s3] =	stream.linear.scatter [tilespmem:s3], [sflag:$0x1], $0x19800, $0x38;
	[tilespmem:$0x19800] =	vst v63  }
0xb0: {  	_ = 	snop  }
0xb1: {  	[hbm4b:s26+s3] =	stream.linear.scatter [tilespmem:s3], [sflag:$0x1], $0x19800, $0x38;
	[tilespmem:$0x19800] =	vst v63  }
0xb2: {  	_ = 	snop  }
0xb3: {  	[hbm4b:s28+s3] =	stream.linear.scatter [tilespmem:s3], [sflag:$0x1], $0x19800, $0x38;
	[tilespmem:$0x19800] =	vst v63  }
0xb4: {  	_ = 	snop  }
0xb5: {  	[hbm4b:s29+s3] =	stream.linear.scatter [tilespmem:s3], [sflag:$0x1], $0x19800, $0x38;
	[tilespmem:$0x19800] =	vst v63  }
0xb6: {  	_ =	swait.ge [sflag:s30], $0x19800  }
0xb7: {  	[sflag:s30] =	ssyncset.done $0x0  }
0xb8: {  	[sflag:s30] =	ssyncadd.s32 $0xFFFE6800  }
0xb9: {  	_ =	swait.ge [sflag:s30], $0x19800  }
0xba: {  	[sflag:s30] =	ssyncset.done $0x0  }
0xbb: {  	[sflag:s30] =	ssyncadd.s32 $0xFFFE6800  }
0xbc: {  	_ =	swait.ge [sflag:s30], $0x19800  }
0xbd: {  	[sflag:s30] =	ssyncset.done $0x0  }
0xbe: {  	[sflag:s30] =	ssyncadd.s32 $0xFFFE6800  }
0xbf: {  	_ =	swait.ge [sflag:s30], $0x19800  }
0xc0: {  	[sflag:s30] =	ssyncset.done $0x0  }
0xc1: {  	[sflag:s30] =	ssyncadd.s32 $0xFFFE6800  }
0xc2: {  	_ =	swait.ge [sflag:s30], $0x19800  }
0xc3: {  	[sflag:s30] =	ssyncset.done $0x0  }
0xc4: {  	[sflag:s30] =	ssyncadd.s32 $0xFFFE6800  }
0xc5: {  	_ =	swait.ge [sflag:s30], $0x19800  }
0xc6: {  	[sflag:s30] =	ssyncset.done $0x0  }
0xc7: {  	[sflag:s30] =	ssyncadd.s32 $0xFFFE6800  }
0xc8: {  	_ =	swait.ge [sflag:s30], $0x19800  }
0xc9: {  	[sflag:s30] =	ssyncset.done $0x0  }
0xca: {  	[sflag:s30] =	ssyncadd.s32 $0xFFFE6800  }
0xcb: {  	_ =	swait.ge [sflag:s30], $0x19800  }
0xcc: {  	[sflag:s30] =	ssyncset.done $0x0  }
0xcd: {  	[sflag:s30] =	ssyncadd.s32 $0xFFFE6800  }
0xce: {  	_ =	swait.ge [sflag:s30], $0x19800  }
0xcf: {  	[sflag:s30] =	ssyncset.done $0x0  }
0xd0: {  	[sflag:s30] =	ssyncadd.s32 $0xFFFE6800  }
0xd1: {  	_ =	swait.ge [sflag:s30], $0x19800  }
0xd2: {  	[sflag:s30] =	ssyncset.done $0x0  }
0xd3: {  	[sflag:s30] =	ssyncadd.s32 $0xFFFE6800  }
0xd4: {  	_ =	swait.ge [sflag:s30], $0x19800  }
0xd5: {  	[sflag:s30] =	ssyncset.done $0x0  }
0xd6: {  	[sflag:s30] =	ssyncadd.s32 $0xFFFE6800  }
0xd7: {  	_ =	swait.ge [sflag:s30], $0x19800  }
0xd8: {  	[sflag:s30] =	ssyncset.done $0x0  }
0xd9: {  	[sflag:s30] =	ssyncadd.s32 $0xFFFE6800  }
0xda: {  	_ =	swait.ge [sflag:s30], $0x19800  }
0xdb: {  	[sflag:s30] =	ssyncset.done $0x0  }
0xdc: {  	[sflag:s30] =	ssyncadd.s32 $0xFFFE6800  }
0xdd: {  	_ =	swait.ge [sflag:s30], $0x19800  }
0xde: {  	[sflag:s30] =	ssyncset.done $0x0  }
0xdf: {  	[sflag:s30] =	ssyncadd.s32 $0xFFFE6800  }
0xe0: {  	_ =	swait.ge [sflag:s30], $0x19800  }
0xe1: {  	[sflag:s30] =	ssyncset.done $0x0  }
0xe2: {  	[sflag:s30] =	ssyncadd.s32 $0xFFFE6800  }
0xe3: {  	_ =	swait.ge [sflag:s30], $0x19800  }
0xe4: {  	[sflag:s30] =	ssyncset.done $0x0  }
0xe5: {  	[sflag:s30] =	ssyncadd.s32 $0xFFFE6800  }
0xe6: {  	_ =	swait.ge [sflag:s30], $0x19800  }
0xe7: {  	[sflag:s30] =	ssyncset.done $0x0  }
0xe8: {  	[sflag:s30] =	ssyncadd.s32 $0xFFFE6800  }
0xe9: {  	_ =	swait.ge [sflag:s30], $0x19800  }
0xea: {  	[sflag:s30] =	ssyncset.done $0x0  }
0xeb: {  	[sflag:s30] =	ssyncadd.s32 $0xFFFE6800  }
0xec: {  	_ =	swait.ge [sflag:s30], $0x19800  }
0xed: {  	[sflag:s30] =	ssyncset.done $0x0  }
0xee: {  	[sflag:s30] =	ssyncadd.s32 $0xFFFE6800  }
0xef: {  	_ =	swait.ge [sflag:s30], $0x19800  }
0xf0: {  	[sflag:s30] =	ssyncset.done $0x0  }
0xf1: {  	[sflag:s30] =	ssyncadd.s32 $0xFFFE6800  }
0xf2: {  	_ =	swait.ge [sflag:s30], $0x19800  }
0xf3: {  	[sflag:s30] =	ssyncset.done $0x0  }
0xf4: {  	[sflag:s30] =	ssyncadd.s32 $0xFFFE6800  }
0xf5: {  	_ =	swait.ge [sflag:s30], $0x19800  }
0xf6: {  	[sflag:s30] =	ssyncset.done $0x0  }
0xf7: {  	[sflag:s30] =	ssyncadd.s32 $0xFFFE6800  }
.Ltmp1:
0xf8: {  	_ =	swait.ge [sflag:s30], $0x19800;
	(pc) =	sbr.rel @p0 .LBB2_1-.Ltmp1, $4  }
0xf9: {  	[sflag:s30] =	ssyncset.done $0x0  }
0xfa: {  	[sflag:s30] =	ssyncadd.s32 $0xFFFE6800  }
0xfb: {  	_ =	swait.ge [sflag:s30], $0x19800  }
0xfc: {  	[sflag:s30] =	ssyncset.done $0x0  }
.LBB2_2:
0xfd: {  	[sflag:s30] =	ssyncadd.s32 $0xFFFE6800  }
0xfe: {  	_ =	sfence.sel $0x180000  }
0xff: {  	[bflag:$0x0] =	sbarrier.arrive $0xFFFF  }
0x100: {  	_ =	strace $0x90000047  }
0x101: {  	[bflag:$0x2] =	sbarrier.arrive $0xFFFF  }
0x102: {  	p0 =	sne.s32 s0, $0x0;
	s0 =	rddreg [dreg:$0x2]  }
0x103: {  	s0 =	sadd.s32 @!p0 $0x100000, s0  }
0x104: {  	[sflag:s0] =	ssyncadd.tile.s32 @!p0 $0x1;
	_ =	shalt  }
.Lfunc_end2:
_tile_overlayer_lowered:
.L_overlay_start_2:
0x105: {  	(tag) =	ssettag $0x2  }
0x106: {  	s0 =	rddreg [dreg:$0x0];
	s2 =	stileid.u32  }
0x107: {  	s1 =	rddreg [dreg:$0x1];
	p0 =	sne.s32 s2, $0x0  }
0x108: {  	s3 =	rddreg [dreg:$0x2];
	[bflag:$0x3] =	sbarrier.arrive $0xFFFF;
	s2 =	simm.s32 @!p0 $0x1C02  }
0x109: {  	[timem:s3], [sflag:s2] =	dma.local @!p0 [hbm:s0], s1  }
0x10a: {  	s0 =	simm.s32 @!p0 $0x2  }
0x10b: {  	_ =	swait.ge @!p0 [sflag:s0], s1  }
0x10c: {  	s1 =	ssub.s32 @!p0 $0x0, s1;
	[sflag:s0] =	ssyncset.done @!p0 $0x0  }
0x10d: {  	[sflag:s0] =	ssyncadd.s32 @!p0 s1  }
0x10e: {  	[bflag:$0x3] =	sbarrier.arrive $0xFFFF  }
0x10f: {  	_ =	shalt  }

</sc_bundles>
